<compile_context>
chip_gen: v7x
topology: tpu7x:2x2x1
jax: 0.10.2.dev20260603
libtpu: 0.0.44.dev20260713+nightly
codegen_flags: <defaults>
</compile_context>

<pallas_src>
import jax
import jax.numpy as jnp
from jax import lax
from jax.experimental import pallas as pl
from jax.experimental.pallas import tpu as pltpu
from jax.experimental.pallas import tpu_sc as plsc

_NC = 2
_NS = 16
_NW = _NC * _NS
_LANES = 16


def _sc_gather(h_flat, pert_idx, batch_assignment, *, N, D, P):
    K = P // _NW

    mesh = plsc.VectorSubcoreMesh(core_axis_name="c", subcore_axis_name="s")

    def body(h_hbm, pi_hbm, ba_hbm, out_hbm, pi_v, ba_v, flat_v, rows_v, sem):
        cid = lax.axis_index("c")
        sid = lax.axis_index("s")
        wid = sid * _NC + cid
        base = wid * K

        pltpu.sync_copy(pi_hbm.at[pl.ds(base, K)], pi_v)
        pltpu.sync_copy(ba_hbm.at[pl.ds(base, K)], ba_v)

        for c in range(K // _LANES):
            s = pl.ds(c * _LANES, _LANES)
            flat_v[s] = ba_v[s] * N + pi_v[s]

        pltpu.async_copy(h_hbm.at[flat_v], rows_v, sem).wait()

        pltpu.sync_copy(rows_v, out_hbm.at[pl.ds(base, K)])

    call = pl.kernel(
        body,
        out_type=jax.ShapeDtypeStruct((P, D), jnp.float32),
        mesh=mesh,
        scratch_types=[
            pltpu.VMEM((K,), jnp.int32),
            pltpu.VMEM((K,), jnp.int32),
            pltpu.VMEM((K,), jnp.int32),
            pltpu.VMEM((K, D), jnp.float32),
            pltpu.SemaphoreType.DMA,
        ],
    )
    return call(h_flat, pert_idx, batch_assignment)


def _tc_head(gathered, ba_row, hcls_row, W1, b1_row, w2_col, b2_11, *, B, D, P):

    def body(g_ref, ba_ref, hcls_ref, w1_ref, b1_ref, w2_ref, b2_ref, out_ref):
        ba = ba_ref[...]
        bid = lax.broadcasted_iota(jnp.int32, (B, P), 0)
        onehot = (bid == ba).astype(jnp.float32)
        g = g_ref[...]
        gh = g.astype(jnp.bfloat16).astype(jnp.float32)
        gl = g - gh
        sums = jnp.dot(onehot, gh, preferred_element_type=jnp.float32)
        sums += jnp.dot(onehot, gl, preferred_element_type=jnp.float32)
        counts = jnp.sum(onehot, axis=1, keepdims=True)
        z = sums / jnp.maximum(counts, 1.0)
        h1 = jnp.dot(hcls_ref[...], w1_ref[0:D, :],
                     preferred_element_type=jnp.float32)
        h2 = jnp.dot(z, w1_ref[D:2 * D, :],
                     preferred_element_type=jnp.float32)
        hidden = jnp.maximum(h1 + h2 + b1_ref[...], 0.0)
        pred = jnp.dot(hidden, w2_ref[...],
                       preferred_element_type=jnp.float32)
        out_ref[...] = pred + b2_ref[...]

    return pl.pallas_call(
        body,
        out_shape=jax.ShapeDtypeStruct((B, 1), jnp.float32),
    )(gathered, ba_row, hcls_row, W1, b1_row, w2_col, b2_11)


def kernel(h_CLS, H_genes_pert, perturbation_indices, batch_assignment,
           W1, b1, W2, b2):
    B, N, D = H_genes_pert.shape
    P = perturbation_indices.shape[0]

    h_flat = H_genes_pert.reshape(B * N, D)

    gathered = _sc_gather(h_flat, perturbation_indices, batch_assignment,
                          N=N, D=D, P=P)

    return _tc_head(gathered,
                    batch_assignment.reshape(1, P),
                    h_CLS.reshape(1, D),
                    W1,
                    b1.reshape(1, D),
                    W2,
                    b2.reshape(1, 1),
                    B=B, D=D, P=P)

# --- scband reference (transcript-rebuilt; emitter-appended) ---
"""Pipeline reference for scband-perturbation-head-41360535060904 (READ-ONLY COPY).

The authoritative reference and input builder live on the scoring server;
editing this copy changes nothing except your own understanding.
"""

import jax, jax.numpy as jnp
import numpy as np

D = 256
B = 32
N = 4096
P = 4096

def setup_inputs(seed: int = 0) -> dict:
    key = jax.random.key(seed)
    ks = jax.random.split(key, 8)
    h_CLS = jax.random.normal(ks[0], (D,), dtype=jnp.float32)
    H_genes_pert = jax.random.normal(ks[1], (B, N, D), dtype=jnp.float32)
    perturbation_indices = jax.random.randint(ks[2], (P,), 0, N, dtype=jnp.int32)
    batch_assignment = jnp.sort(jax.random.randint(ks[3], (P,), 0, B, dtype=jnp.int32))
    # MLP params: Linear(2D, D) -> ReLU -> (Dropout, identity at eval) -> Linear(D, 1)
    W1 = jax.random.normal(ks[4], (2 * D, D), dtype=jnp.float32) * (1.0 / np.sqrt(2 * D))
    b1 = jnp.zeros((D,), dtype=jnp.float32)
    W2 = jax.random.normal(ks[5], (D, 1), dtype=jnp.float32) * (1.0 / np.sqrt(D))
    b2 = jnp.zeros((1,), dtype=jnp.float32)
    return {"h_CLS": h_CLS, "H_genes_pert": H_genes_pert, "perturbation_indices": perturbation_indices, "batch_assignment": batch_assignment, "W1": W1, "b1": b1, "W2": W2, "b2": b2}

def reference(h_CLS, H_genes_pert, perturbation_indices, batch_assignment, W1, b1, W2, b2):
    batch_size = H_genes_pert.shape[0]
    # Gather perturbed gene embeddings: equivalent to per-b H[b, pert_idx_b, :]
    gathered = H_genes_pert[batch_assignment, perturbation_indices, :]  # [P, d]
    sums = jax.ops.segment_sum(gathered, batch_assignment, num_segments=batch_size)
    counts = jax.ops.segment_sum(jnp.ones((gathered.shape[0],), dtype=jnp.float32), batch_assignment, num_segments=batch_size)
    # mean per segment; zeros for empty segments (matches torch branch)
    z_S = sums / jnp.maximum(counts, 1.0)[:, None]
    h_CLS_expanded = jnp.broadcast_to(h_CLS[None, :], (batch_size, h_CLS.shape[0]))
    combined = jnp.concatenate([h_CLS_expanded, z_S], axis=-1)
    hidden = jnp.maximum(combined @ W1 + b1, 0.0)
    predictions = hidden @ W2 + b2
    return predictions

if __name__ == "__main__":
    import jax
    _d = setup_inputs()
    print(jax.jit(kernel)(*tuple(_d.values())))

</pallas_src>

<mosaic_0001>
#map = affine_map<(d0, d1) -> (0, 0)>
#map1 = affine_map<(d0, d1) -> (0)>
module attributes {stable_mosaic.version = 14 : i64} {
  func.func @body(%arg0: i32, %arg1: i32, %arg2: memref<131072x256xf32, #tpu.memory_space<hbm>>, %arg3: memref<4096xi32, #tpu.memory_space<hbm>>, %arg4: memref<4096xi32, #tpu.memory_space<hbm>>, %arg5: memref<4096x256xf32, #tpu.memory_space<hbm>>, %arg6: memref<128xi32, #tpu.memory_space<vmem>>, %arg7: memref<128xi32, #tpu.memory_space<vmem>>, %arg8: memref<128xi32, #tpu.memory_space<vmem>>, %arg9: memref<128x256xf32, #tpu.memory_space<vmem>>, %arg10: memref<!tpu.dma_semaphore, #tpu.memory_space<semaphore_mem>>) attributes {dimension_semantics = [#tpu.dimension_semantics<core_parallel>, #tpu.dimension_semantics<subcore_parallel>], iteration_bounds = array<i64: 2, 16>, scalar_prefetch = 0 : i64, scratch_operands = 5 : i64, tpu.core_type = #tpu.core_type<sc_vector_subcore>, window_params = [{transform_indices = #map}, {transform_indices = #map1}, {transform_indices = #map1}, {transform_indices = #map}]} {
    %mul3A = arith.constant 2 : i32
    %mul3A_0 = arith.muli %arg1, %mul3A : i32
    %add3A = arith.addi %mul3A_0, %arg0 : i32
    %mul3A_1 = arith.constant 128 : i32
    %mul3A_2 = arith.muli %add3A, %mul3A_1 : i32
    "tpu.region"() ({
      %run_scoped3A = tpu.sem_alloc : memref<!tpu.dma_semaphore, #tpu.memory_space<semaphore_mem>>
      %dma_start3A_117 = tpu.memref_slice %arg3[%mul3A_2] : memref<4096xi32, #tpu.memory_space<hbm>> -> memref<128xi32, #tpu.memory_space<hbm>>
      %dma_start3A_118 = tpu.memref_slice %arg3[%mul3A_2] : memref<4096xi32, #tpu.memory_space<hbm>> -> memref<128xi32, #tpu.memory_space<hbm>>
      tpu.enqueue_dma source(%dma_start3A_118 : memref<128xi32, #tpu.memory_space<hbm>>) target(%arg6 : memref<128xi32, #tpu.memory_space<vmem>>) target_semaphore(%run_scoped3A : memref<!tpu.dma_semaphore, #tpu.memory_space<semaphore_mem>>)
      %dma_wait3A_119 = tpu.memref_slice %arg3[%mul3A_2] : memref<4096xi32, #tpu.memory_space<hbm>> -> memref<128xi32, #tpu.memory_space<hbm>>
      %dma_wait3A_120 = tpu.memref_slice %arg3[%mul3A_2] : memref<4096xi32, #tpu.memory_space<hbm>> -> memref<128xi32, #tpu.memory_space<hbm>>
      tpu.wait_dma2 semaphore(%run_scoped3A : memref<!tpu.dma_semaphore, #tpu.memory_space<semaphore_mem>>) src(%dma_wait3A_120 : memref<128xi32, #tpu.memory_space<hbm>>) dst(%arg6 : memref<128xi32, #tpu.memory_space<vmem>>)
      tpu.yield
    }) : () -> ()
    "tpu.region"() ({
      %run_scoped3A = tpu.sem_alloc : memref<!tpu.dma_semaphore, #tpu.memory_space<semaphore_mem>>
      %dma_start3A_117 = tpu.memref_slice %arg4[%mul3A_2] : memref<4096xi32, #tpu.memory_space<hbm>> -> memref<128xi32, #tpu.memory_space<hbm>>
      %dma_start3A_118 = tpu.memref_slice %arg4[%mul3A_2] : memref<4096xi32, #tpu.memory_space<hbm>> -> memref<128xi32, #tpu.memory_space<hbm>>
      tpu.enqueue_dma source(%dma_start3A_118 : memref<128xi32, #tpu.memory_space<hbm>>) target(%arg7 : memref<128xi32, #tpu.memory_space<vmem>>) target_semaphore(%run_scoped3A : memref<!tpu.dma_semaphore, #tpu.memory_space<semaphore_mem>>)
      %dma_wait3A_119 = tpu.memref_slice %arg4[%mul3A_2] : memref<4096xi32, #tpu.memory_space<hbm>> -> memref<128xi32, #tpu.memory_space<hbm>>
      %dma_wait3A_120 = tpu.memref_slice %arg4[%mul3A_2] : memref<4096xi32, #tpu.memory_space<hbm>> -> memref<128xi32, #tpu.memory_space<hbm>>
      tpu.wait_dma2 semaphore(%run_scoped3A : memref<!tpu.dma_semaphore, #tpu.memory_space<semaphore_mem>>) src(%dma_wait3A_120 : memref<128xi32, #tpu.memory_space<hbm>>) dst(%arg7 : memref<128xi32, #tpu.memory_space<vmem>>)
      tpu.yield
    }) : () -> ()
    %get3A = arith.constant 0 : index
    %get3A_3 = tpu.vector_load %arg7[%get3A] {strides = array<i32>} : memref<128xi32, #tpu.memory_space<vmem>>, vector<16xi32>,
    %get3A_4 = vector.shape_cast %get3A_3 : vector<16xi32> to vector<16xi32>
    %mul3A_5 = arith.constant 4096 : i32
    %mul3A_6 = vector.broadcast %mul3A_5 : i32 to vector<16xi32>
    %mul3A_7 = arith.muli %get3A_4, %mul3A_6 : vector<16xi32>
    %get3A_8 = arith.constant 0 : index
    %get3A_9 = tpu.vector_load %arg6[%get3A_8] {strides = array<i32>} : memref<128xi32, #tpu.memory_space<vmem>>, vector<16xi32>,
    %get3A_10 = vector.shape_cast %get3A_9 : vector<16xi32> to vector<16xi32>
    %add3A_11 = arith.addi %mul3A_7, %get3A_10 : vector<16xi32>
    %swap3A = arith.constant 0 : index
    %swap3A_12 = tpu.vector_load %arg8[%swap3A] {strides = array<i32>} : memref<128xi32, #tpu.memory_space<vmem>>, vector<16xi32>,
    %swap3A_13 = vector.shape_cast %swap3A_12 : vector<16xi32> to vector<16xi32>
    %swap3A_14 = vector.shape_cast %add3A_11 : vector<16xi32> to vector<16xi32>
    tpu.vector_store %arg8[%swap3A], %swap3A_14 {strides = array<i32>} : memref<128xi32, #tpu.memory_space<vmem>>, vector<16xi32>,
    %get3A_15 = arith.constant 16 : index
    %get3A_16 = tpu.vector_load %arg7[%get3A_15] {strides = array<i32>} : memref<128xi32, #tpu.memory_space<vmem>>, vector<16xi32>,
    %get3A_17 = vector.shape_cast %get3A_16 : vector<16xi32> to vector<16xi32>
    %mul3A_18 = arith.constant 4096 : i32
    %mul3A_19 = vector.broadcast %mul3A_18 : i32 to vector<16xi32>
    %mul3A_20 = arith.muli %get3A_17, %mul3A_19 : vector<16xi32>
    %get3A_21 = arith.constant 16 : index
    %get3A_22 = tpu.vector_load %arg6[%get3A_21] {strides = array<i32>} : memref<128xi32, #tpu.memory_space<vmem>>, vector<16xi32>,
    %get3A_23 = vector.shape_cast %get3A_22 : vector<16xi32> to vector<16xi32>
    %add3A_24 = arith.addi %mul3A_20, %get3A_23 : vector<16xi32>
    %swap3A_25 = arith.constant 16 : index
    %swap3A_26 = tpu.vector_load %arg8[%swap3A_25] {strides = array<i32>} : memref<128xi32, #tpu.memory_space<vmem>>, vector<16xi32>,
    %swap3A_27 = vector.shape_cast %swap3A_26 : vector<16xi32> to vector<16xi32>
    %swap3A_28 = vector.shape_cast %add3A_24 : vector<16xi32> to vector<16xi32>
    tpu.vector_store %arg8[%swap3A_25], %swap3A_28 {strides = array<i32>} : memref<128xi32, #tpu.memory_space<vmem>>, vector<16xi32>,
    %get3A_29 = arith.constant 32 : index
    %get3A_30 = tpu.vector_load %arg7[%get3A_29] {strides = array<i32>} : memref<128xi32, #tpu.memory_space<vmem>>, vector<16xi32>,
    %get3A_31 = vector.shape_cast %get3A_30 : vector<16xi32> to vector<16xi32>
    %mul3A_32 = arith.constant 4096 : i32
    %mul3A_33 = vector.broadcast %mul3A_32 : i32 to vector<16xi32>
    %mul3A_34 = arith.muli %get3A_31, %mul3A_33 : vector<16xi32>
    %get3A_35 = arith.constant 32 : index
    %get3A_36 = tpu.vector_load %arg6[%get3A_35] {strides = array<i32>} : memref<128xi32, #tpu.memory_space<vmem>>, vector<16xi32>,
    %get3A_37 = vector.shape_cast %get3A_36 : vector<16xi32> to vector<16xi32>
    %add3A_38 = arith.addi %mul3A_34, %get3A_37 : vector<16xi32>
    %swap3A_39 = arith.constant 32 : index
    %swap3A_40 = tpu.vector_load %arg8[%swap3A_39] {strides = array<i32>} : memref<128xi32, #tpu.memory_space<vmem>>, vector<16xi32>,
    %swap3A_41 = vector.shape_cast %swap3A_40 : vector<16xi32> to vector<16xi32>
    %swap3A_42 = vector.shape_cast %add3A_38 : vector<16xi32> to vector<16xi32>
    tpu.vector_store %arg8[%swap3A_39], %swap3A_42 {strides = array<i32>} : memref<128xi32, #tpu.memory_space<vmem>>, vector<16xi32>,
    %get3A_43 = arith.constant 48 : index
    %get3A_44 = tpu.vector_load %arg7[%get3A_43] {strides = array<i32>} : memref<128xi32, #tpu.memory_space<vmem>>, vector<16xi32>,
    %get3A_45 = vector.shape_cast %get3A_44 : vector<16xi32> to vector<16xi32>
    %mul3A_46 = arith.constant 4096 : i32
    %mul3A_47 = vector.broadcast %mul3A_46 : i32 to vector<16xi32>
    %mul3A_48 = arith.muli %get3A_45, %mul3A_47 : vector<16xi32>
    %get3A_49 = arith.constant 48 : index
    %get3A_50 = tpu.vector_load %arg6[%get3A_49] {strides = array<i32>} : memref<128xi32, #tpu.memory_space<vmem>>, vector<16xi32>,
    %get3A_51 = vector.shape_cast %get3A_50 : vector<16xi32> to vector<16xi32>
    %add3A_52 = arith.addi %mul3A_48, %get3A_51 : vector<16xi32>
    %swap3A_53 = arith.constant 48 : index
    %swap3A_54 = tpu.vector_load %arg8[%swap3A_53] {strides = array<i32>} : memref<128xi32, #tpu.memory_space<vmem>>, vector<16xi32>,
    %swap3A_55 = vector.shape_cast %swap3A_54 : vector<16xi32> to vector<16xi32>
    %swap3A_56 = vector.shape_cast %add3A_52 : vector<16xi32> to vector<16xi32>
    tpu.vector_store %arg8[%swap3A_53], %swap3A_56 {strides = array<i32>} : memref<128xi32, #tpu.memory_space<vmem>>, vector<16xi32>,
    %get3A_57 = arith.constant 64 : index
    %get3A_58 = tpu.vector_load %arg7[%get3A_57] {strides = array<i32>} : memref<128xi32, #tpu.memory_space<vmem>>, vector<16xi32>,
    %get3A_59 = vector.shape_cast %get3A_58 : vector<16xi32> to vector<16xi32>
    %mul3A_60 = arith.constant 4096 : i32
    %mul3A_61 = vector.broadcast %mul3A_60 : i32 to vector<16xi32>
    %mul3A_62 = arith.muli %get3A_59, %mul3A_61 : vector<16xi32>
    %get3A_63 = arith.constant 64 : index
    %get3A_64 = tpu.vector_load %arg6[%get3A_63] {strides = array<i32>} : memref<128xi32, #tpu.memory_space<vmem>>, vector<16xi32>,
    %get3A_65 = vector.shape_cast %get3A_64 : vector<16xi32> to vector<16xi32>
    %add3A_66 = arith.addi %mul3A_62, %get3A_65 : vector<16xi32>
    %swap3A_67 = arith.constant 64 : index
    %swap3A_68 = tpu.vector_load %arg8[%swap3A_67] {strides = array<i32>} : memref<128xi32, #tpu.memory_space<vmem>>, vector<16xi32>,
    %swap3A_69 = vector.shape_cast %swap3A_68 : vector<16xi32> to vector<16xi32>
    %swap3A_70 = vector.shape_cast %add3A_66 : vector<16xi32> to vector<16xi32>
    tpu.vector_store %arg8[%swap3A_67], %swap3A_70 {strides = array<i32>} : memref<128xi32, #tpu.memory_space<vmem>>, vector<16xi32>,
    %get3A_71 = arith.constant 80 : index
    %get3A_72 = tpu.vector_load %arg7[%get3A_71] {strides = array<i32>} : memref<128xi32, #tpu.memory_space<vmem>>, vector<16xi32>,
    %get3A_73 = vector.shape_cast %get3A_72 : vector<16xi32> to vector<16xi32>
    %mul3A_74 = arith.constant 4096 : i32
    %mul3A_75 = vector.broadcast %mul3A_74 : i32 to vector<16xi32>
    %mul3A_76 = arith.muli %get3A_73, %mul3A_75 : vector<16xi32>
    %get3A_77 = arith.constant 80 : index
    %get3A_78 = tpu.vector_load %arg6[%get3A_77] {strides = array<i32>} : memref<128xi32, #tpu.memory_space<vmem>>, vector<16xi32>,
    %get3A_79 = vector.shape_cast %get3A_78 : vector<16xi32> to vector<16xi32>
    %add3A_80 = arith.addi %mul3A_76, %get3A_79 : vector<16xi32>
    %swap3A_81 = arith.constant 80 : index
    %swap3A_82 = tpu.vector_load %arg8[%swap3A_81] {strides = array<i32>} : memref<128xi32, #tpu.memory_space<vmem>>, vector<16xi32>,
    %swap3A_83 = vector.shape_cast %swap3A_82 : vector<16xi32> to vector<16xi32>
    %swap3A_84 = vector.shape_cast %add3A_80 : vector<16xi32> to vector<16xi32>
    tpu.vector_store %arg8[%swap3A_81], %swap3A_84 {strides = array<i32>} : memref<128xi32, #tpu.memory_space<vmem>>, vector<16xi32>,
    %get3A_85 = arith.constant 96 : index
    %get3A_86 = tpu.vector_load %arg7[%get3A_85] {strides = array<i32>} : memref<128xi32, #tpu.memory_space<vmem>>, vector<16xi32>,
    %get3A_87 = vector.shape_cast %get3A_86 : vector<16xi32> to vector<16xi32>
    %mul3A_88 = arith.constant 4096 : i32
    %mul3A_89 = vector.broadcast %mul3A_88 : i32 to vector<16xi32>
    %mul3A_90 = arith.muli %get3A_87, %mul3A_89 : vector<16xi32>
    %get3A_91 = arith.constant 96 : index
    %get3A_92 = tpu.vector_load %arg6[%get3A_91] {strides = array<i32>} : memref<128xi32, #tpu.memory_space<vmem>>, vector<16xi32>,
    %get3A_93 = vector.shape_cast %get3A_92 : vector<16xi32> to vector<16xi32>
    %add3A_94 = arith.addi %mul3A_90, %get3A_93 : vector<16xi32>
    %swap3A_95 = arith.constant 96 : index
    %swap3A_96 = tpu.vector_load %arg8[%swap3A_95] {strides = array<i32>} : memref<128xi32, #tpu.memory_space<vmem>>, vector<16xi32>,
    %swap3A_97 = vector.shape_cast %swap3A_96 : vector<16xi32> to vector<16xi32>
    %swap3A_98 = vector.shape_cast %add3A_94 : vector<16xi32> to vector<16xi32>
    tpu.vector_store %arg8[%swap3A_95], %swap3A_98 {strides = array<i32>} : memref<128xi32, #tpu.memory_space<vmem>>, vector<16xi32>,
    %get3A_99 = arith.constant 112 : index
    %get3A_100 = tpu.vector_load %arg7[%get3A_99] {strides = array<i32>} : memref<128xi32, #tpu.memory_space<vmem>>, vector<16xi32>,
    %get3A_101 = vector.shape_cast %get3A_100 : vector<16xi32> to vector<16xi32>
    %mul3A_102 = arith.constant 4096 : i32
    %mul3A_103 = vector.broadcast %mul3A_102 : i32 to vector<16xi32>
    %mul3A_104 = arith.muli %get3A_101, %mul3A_103 : vector<16xi32>
    %get3A_105 = arith.constant 112 : index
    %get3A_106 = tpu.vector_load %arg6[%get3A_105] {strides = array<i32>} : memref<128xi32, #tpu.memory_space<vmem>>, vector<16xi32>,
    %get3A_107 = vector.shape_cast %get3A_106 : vector<16xi32> to vector<16xi32>
    %add3A_108 = arith.addi %mul3A_104, %get3A_107 : vector<16xi32>
    %swap3A_109 = arith.constant 112 : index
    %swap3A_110 = tpu.vector_load %arg8[%swap3A_109] {strides = array<i32>} : memref<128xi32, #tpu.memory_space<vmem>>, vector<16xi32>,
    %swap3A_111 = vector.shape_cast %swap3A_110 : vector<16xi32> to vector<16xi32>
    %swap3A_112 = vector.shape_cast %add3A_108 : vector<16xi32> to vector<16xi32>
    tpu.vector_store %arg8[%swap3A_109], %swap3A_112 {strides = array<i32>} : memref<128xi32, #tpu.memory_space<vmem>>, vector<16xi32>,
    %dma_start3A = arith.constant 0 : i32
    %dma_start3A_113 = arith.constant 0 : i32
    %dma_start3A_114 = tpu.memref_slice %arg2[%dma_start3A, %dma_start3A_113] : memref<131072x256xf32, #tpu.memory_space<hbm>> -> memref<131072x256xf32, #tpu.memory_space<hbm>>
    tpu.enqueue_indirect_dma source(%dma_start3A_114 : memref<131072x256xf32, #tpu.memory_space<hbm>>) target(%arg9 : memref<128x256xf32, #tpu.memory_space<vmem>>) offsets(%arg8 : memref<128xi32, #tpu.memory_space<vmem>>) semaphore(%arg10 : memref<!tpu.dma_semaphore, #tpu.memory_space<semaphore_mem>>)
    %dma_wait3A = arith.constant 0 : i32
    %dma_wait3A_115 = arith.constant 0 : i32
    %dma_wait3A_116 = tpu.memref_slice %arg2[%dma_wait3A, %dma_wait3A_115] : memref<131072x256xf32, #tpu.memory_space<hbm>> -> memref<131072x256xf32, #tpu.memory_space<hbm>>
    tpu.wait_indirect_dma semaphore(%arg10 : memref<!tpu.dma_semaphore, #tpu.memory_space<semaphore_mem>>) src(%dma_wait3A_116 : memref<131072x256xf32, #tpu.memory_space<hbm>>) dst(%arg9 : memref<128x256xf32, #tpu.memory_space<vmem>>)
    "tpu.region"() ({
      %run_scoped3A = tpu.sem_alloc : memref<!tpu.dma_semaphore, #tpu.memory_space<semaphore_mem>>
      %dma_start3A_117 = arith.constant 0 : i32
      %dma_start3A_118 = tpu.memref_slice %arg5[%mul3A_2, %dma_start3A_117] : memref<4096x256xf32, #tpu.memory_space<hbm>> -> memref<128x256xf32, #tpu.memory_space<hbm>>
      %dma_start3A_119 = arith.constant 0 : i32
      %dma_start3A_120 = tpu.memref_slice %arg5[%mul3A_2, %dma_start3A_119] : memref<4096x256xf32, #tpu.memory_space<hbm>> -> memref<128x256xf32, #tpu.memory_space<hbm>>
      tpu.enqueue_dma source(%arg9 : memref<128x256xf32, #tpu.memory_space<vmem>>) target(%dma_start3A_120 : memref<128x256xf32, #tpu.memory_space<hbm>>) target_semaphore(%run_scoped3A : memref<!tpu.dma_semaphore, #tpu.memory_space<semaphore_mem>>)
      %dma_wait3A_121 = arith.constant 0 : i32
      %dma_wait3A_122 = tpu.memref_slice %arg5[%mul3A_2, %dma_wait3A_121] : memref<4096x256xf32, #tpu.memory_space<hbm>> -> memref<128x256xf32, #tpu.memory_space<hbm>>
      %dma_wait3A_123 = arith.constant 0 : i32
      %dma_wait3A_124 = tpu.memref_slice %arg5[%mul3A_2, %dma_wait3A_123] : memref<4096x256xf32, #tpu.memory_space<hbm>> -> memref<128x256xf32, #tpu.memory_space<hbm>>
      tpu.wait_dma2 semaphore(%run_scoped3A : memref<!tpu.dma_semaphore, #tpu.memory_space<semaphore_mem>>) src(%arg9 : memref<128x256xf32, #tpu.memory_space<vmem>>) dst(%dma_wait3A_124 : memref<128x256xf32, #tpu.memory_space<hbm>>)
      tpu.yield
    }) : () -> ()
    return
  }
}

module attributes {stable_mosaic.version = 14 : i64} {
  func.func @body(%arg0: memref<4096x256xf32, #tpu.memory_space<vmem>>, %arg1: memref<1x4096xi32, #tpu.memory_space<vmem>>, %arg2: memref<1x256xf32, #tpu.memory_space<vmem>>, %arg3: memref<512x256xf32, #tpu.memory_space<vmem>>, %arg4: memref<1x256xf32, #tpu.memory_space<vmem>>, %arg5: memref<256x1xf32, #tpu.memory_space<vmem>>, %arg6: memref<1x1xf32, #tpu.memory_space<vmem>>, %arg7: memref<32x1xf32, #tpu.memory_space<vmem>>) attributes {dimension_semantics = [], scalar_prefetch = 0 : i64, scratch_operands = 0 : i64, tpu.core_type = #tpu.core_type<tc>} {
    %get3A = arith.constant 0 : index
    %get3A_0 = arith.constant 0 : index
    %get3A_1 = vector.load %arg1[%get3A, %get3A_0] : memref<1x4096xi32, #tpu.memory_space<vmem>>, vector<1x4096xi32>
    %iota3A = tpu.iota {dimensions = array<i32: 0>} : vector<32x4096xi32>
    %eq3A = vector.broadcast %get3A_1 : vector<1x4096xi32> to vector<32x4096xi32>
    %eq3A_2 = arith.cmpi eq, %iota3A, %eq3A : vector<32x4096xi32>
    %convert_element_type3A = arith.extui %eq3A_2 : vector<32x4096xi1> to vector<32x4096xi32>
    %convert_element_type3A_3 = arith.sitofp %convert_element_type3A : vector<32x4096xi32> to vector<32x4096xf32>
    %get3A_4 = arith.constant 0 : index
    %get3A_5 = arith.constant 0 : index
    %get3A_6 = vector.load %arg0[%get3A_4, %get3A_5] : memref<4096x256xf32, #tpu.memory_space<vmem>>, vector<4096x256xf32>
    %convert_element_type3A_7 = arith.truncf %get3A_6 : vector<4096x256xf32> to vector<4096x256xbf16>
    %convert_element_type3A_8 = arith.extf %convert_element_type3A_7 : vector<4096x256xbf16> to vector<4096x256xf32>
    %sub3A = arith.subf %get3A_6, %convert_element_type3A_8 : vector<4096x256xf32>
    %dot_general3A = arith.constant dense<0.000000e+00> : vector<32x256xf32>
    %dot_general3A_9 = tpu.matmul %convert_element_type3A_3, %convert_element_type3A_8, %dot_general3A {dimension_numbers = #tpu.dot_dimension_numbers<[1], [0], [0], [1], [0, 0, 1, 1], [], []>, transpose_lhs_hint = false} : vector<32x4096xf32>, vector<4096x256xf32>, vector<32x256xf32> -> vector<32x256xf32>
    %dot_general3A_10 = arith.constant dense<0.000000e+00> : vector<32x256xf32>
    %dot_general3A_11 = tpu.matmul %convert_element_type3A_3, %sub3A, %dot_general3A_10 {dimension_numbers = #tpu.dot_dimension_numbers<[1], [0], [0], [1], [0, 0, 1, 1], [], []>, transpose_lhs_hint = false} : vector<32x4096xf32>, vector<4096x256xf32>, vector<32x256xf32> -> vector<32x256xf32>
    %add3A = arith.addf %dot_general3A_9, %dot_general3A_11 : vector<32x256xf32>
    %reduce_sum3A = arith.constant dense<0.000000e+00> : vector<32xf32>
    %reduce_sum3A_12 = vector.multi_reduction <add>, %convert_element_type3A_3, %reduce_sum3A [1] : vector<32x4096xf32> to vector<32xf32>
    %broadcast_in_dim3A = vector.shape_cast %reduce_sum3A_12 : vector<32xf32> to vector<32x1xf32>
    %max3A = arith.constant 1.000000e+00 : f32
    %max3A_13 = vector.broadcast %max3A : f32 to vector<32x1xf32>
    %max3A_14 = arith.maximumf %broadcast_in_dim3A, %max3A_13 : vector<32x1xf32>
    %div3A = vector.broadcast %max3A_14 : vector<32x1xf32> to vector<32x256xf32>
    %div3A_15 = arith.divf %add3A, %div3A : vector<32x256xf32>
    %get3A_16 = arith.constant 0 : index
    %get3A_17 = arith.constant 0 : index
    %get3A_18 = vector.load %arg2[%get3A_16, %get3A_17] : memref<1x256xf32, #tpu.memory_space<vmem>>, vector<1x256xf32>
    %get3A_19 = arith.constant 0 : index
    %get3A_20 = arith.constant 0 : index
    %get3A_21 = vector.load %arg3[%get3A_19, %get3A_20] : memref<512x256xf32, #tpu.memory_space<vmem>>, vector<256x256xf32>
    %dot_general3A_22 = arith.constant dense<0.000000e+00> : vector<1x256xf32>
    %dot_general3A_23 = tpu.matmul %get3A_18, %get3A_21, %dot_general3A_22 {dimension_numbers = #tpu.dot_dimension_numbers<[1], [0], [0], [1], [0, 0, 1, 1], [], []>, transpose_lhs_hint = false} : vector<1x256xf32>, vector<256x256xf32>, vector<1x256xf32> -> vector<1x256xf32>
    %get3A_24 = arith.constant 256 : index
    %get3A_25 = arith.constant 0 : index
    %get3A_26 = vector.load %arg3[%get3A_24, %get3A_25] : memref<512x256xf32, #tpu.memory_space<vmem>>, vector<256x256xf32>
    %dot_general3A_27 = arith.constant dense<0.000000e+00> : vector<32x256xf32>
    %dot_general3A_28 = tpu.matmul %div3A_15, %get3A_26, %dot_general3A_27 {dimension_numbers = #tpu.dot_dimension_numbers<[1], [0], [0], [1], [0, 0, 1, 1], [], []>, transpose_lhs_hint = false} : vector<32x256xf32>, vector<256x256xf32>, vector<32x256xf32> -> vector<32x256xf32>
    %add3A_29 = vector.broadcast %dot_general3A_23 : vector<1x256xf32> to vector<32x256xf32>
    %add3A_30 = arith.addf %add3A_29, %dot_general3A_28 : vector<32x256xf32>
    %get3A_31 = arith.constant 0 : index
    %get3A_32 = arith.constant 0 : index
    %get3A_33 = vector.load %arg4[%get3A_31, %get3A_32] : memref<1x256xf32, #tpu.memory_space<vmem>>, vector<1x256xf32>
    %add3A_34 = vector.broadcast %get3A_33 : vector<1x256xf32> to vector<32x256xf32>
    %add3A_35 = arith.addf %add3A_30, %add3A_34 : vector<32x256xf32>
    %max3A_36 = arith.constant 0.000000e+00 : f32
    %max3A_37 = vector.broadcast %max3A_36 : f32 to vector<32x256xf32>
    %max3A_38 = arith.maximumf %add3A_35, %max3A_37 : vector<32x256xf32>
    %get3A_39 = arith.constant 0 : index
    %get3A_40 = arith.constant 0 : index
    %get3A_41 = vector.load %arg5[%get3A_39, %get3A_40] : memref<256x1xf32, #tpu.memory_space<vmem>>, vector<256x1xf32>
    %dot_general3A_42 = arith.constant dense<0.000000e+00> : vector<32x1xf32>
    %dot_general3A_43 = tpu.matmul %max3A_38, %get3A_41, %dot_general3A_42 {dimension_numbers = #tpu.dot_dimension_numbers<[1], [0], [0], [1], [0, 0, 1, 1], [], []>, transpose_lhs_hint = false} : vector<32x256xf32>, vector<256x1xf32>, vector<32x1xf32> -> vector<32x1xf32>
    %get3A_44 = arith.constant 0 : index
    %get3A_45 = arith.constant 0 : index
    %get3A_46 = vector.load %arg6[%get3A_44, %get3A_45] : memref<1x1xf32, #tpu.memory_space<vmem>>, vector<1x1xf32>
    %add3A_47 = vector.broadcast %get3A_46 : vector<1x1xf32> to vector<32x1xf32>
    %add3A_48 = arith.addf %dot_general3A_43, %add3A_47 : vector<32x1xf32>
    %swap3A = arith.constant 0 : index
    %swap3A_49 = arith.constant 0 : index
    %swap3A_50 = vector.load %arg7[%swap3A, %swap3A_49] : memref<32x1xf32, #tpu.memory_space<vmem>>, vector<32x1xf32>
    tpu.vector_store %arg7[%swap3A, %swap3A_49], %add3A_48 {strides = array<i32>} : memref<32x1xf32, #tpu.memory_space<vmem>>, vector<32x1xf32>,
    return
  }
}

</mosaic_0001>

<sc_bundles>
// kernel: kernel.4.cloned.1.call-start
scs
__scs_entry_jumppad:
0x0: {  	(pc) =	sbr.rel $0x88, $3  }
0x1: {  	(tag) =	ssettag $0x0;
	lr =	simm.s32 $0x1  }
0x2: {  	[smem:$0x3F99] =	sst lr;
	_ =	strace $0xD0000000  }
0x3: {  	_ = 	snop  }
0x4: {  	_ = 	snop  }
0x5: {  	_ = 	snop  }
0x6: {  	_ = 	snop  }
0x7: {  	_ = 	snop  }
__scs_overlays_trampoline_lowered:
0x8: {  	[smem:$0x3FA8] =	sst s0  }
0x9: {  	[smem:$0x3FA9] =	sst s1  }
0xa: {  	[smem:$0x3FAA] =	sst s2  }
0xb: {  	[smem:$0x3FAB] =	sst s3  }
0xc: {  	[smem:$0x3FAC] =	sst s4  }
0xd: {  	[smem:$0x3FAD] =	sst s5  }
0xe: {  	[smem:$0x3FAE] =	sst s6  }
0xf: {  	[smem:$0x3FAF] =	sst s7  }
0x10: {  	[smem:$0x3FB0] =	sst s8  }
0x11: {  	[smem:$0x3FB1] =	sst s9;
	s0 =	simm.s32 @!p0 $0x0  }
0x12: {  	s1 =	sld [smem:$0x3F97];
	s0 =	simm.s32 @p0 $0x1  }
0x13: {  	[smem:$0x3FB2] =	sst s0;
	s0 =	simm.s32 @!p1 $0x0  }
0x14: {  	s2 =	sld [smem:$0x3F96];
	s0 =	simm.s32 @p1 $0x1  }
0x15: {  	[smem:$0x3FB3] =	sst s0;
	s0 =	simm.s32 @!p2 $0x0  }
0x16: {  	s3 =	sld [smem:$0x3FDB];
	s0 =	simm.s32 @p2 $0x1  }
0x17: {  	s4 =	simm.s32 $0x1BF5;
	[smem:$0x3FB5] =	sst s0  }
0x18: {  	s0 =	sld [smem:$0x3F98];
	_ =	swait.ge [sflag:s4], $0x0  }
0x19: {  	s7 =	sld [smem:$0x3F99]  }
0x1a: {  	s8 =	sadd.s32 $0xFFFFE003, lr  }
0x1b: {  	s9 =	sadd.s32 $0xFFFFFEF7, lr;
	s5 =	simm.s32 $0xFFFFFFFF;
	p2 =	slt.u32 s8, $0xFFFFF086  }
0x1c: {  	p1 =	slt.u32 s9, $0xF7A;
	s5 =	simm.s32 @!p2 $0x0  }
0x1d: {  	s5 =	simm.s32 @p1 $0x1;
	p0 =	seq.s32 s7, s2  }
0x1e: {  	s7 =	smul.u32 @!p0 $0xF7A, s2;
	p2 =	seq.s32 @!p0 s5, $0x0  }
0x1f: {  	s9 =	smul.u32 $0xF7A, s1;
	s8 =	simm.s32 @!p0 $0x1BF5;
	p2 =	por !p2, p0  }
0x20: {  	[sflag:s8] =	ssyncset.s32 @!p0 $0xFFFFF086;
	s6 =	sadd.s32 @!p0 s3, s7;
	s7 =	simm.s32 @!p0 $0x108  }
0x21: {  	s3 =	sadd.s32 s3, s9;
	s6 =	sadd.s32 @!p0 $0x88, s6;
	s7 =	simm.s32 @p2 $0x1082  }
0x22: {  	[simem:s7], [sflag:s8] =	dma.local @!p0 [hbm:s6], $0xF7A  }
0x23: {  	s9 =	sor.u32 $0xD0000000, s2;
	s6 =	simm.s32 $0x108;
	_ =	swait.ge @!p0 [sflag:s8], $0x0  }
0x24: {  	s3 =	sadd.s32 $0x88, s3;
	s6 =	simm.s32 @!p1 $0x1082;
	[sflag:s4] =	ssyncset.s32 $0xFFFFF086  }
0x25: {  	[simem:s6], [sflag:s4] =	dma.local [hbm:s3], $0xF7A  }
0x26: {  	[smem:$0x3F99] =	sst s1;
	(tag) =	ssettag s2;
	_ =	strace s9  }
0x27: {  	s1 =	sld [smem:$0x3FA9]  }
0x28: {  	s2 =	sld [smem:$0x3FAA]  }
0x29: {  	s4 =	sld [smem:$0x3FAC]  }
0x2a: {  	p0 =	seq.s32 s5, $0x0;
	s5 =	sld [smem:$0x3FAD]  }
0x2b: {  	s6 =	sld [smem:$0x3FAE]  }
0x2c: {  	s7 =	sld [smem:$0x3FAF]  }
0x2d: {  	s3 =	simm.s32 $0x108;
	s8 =	sld [smem:$0x3FB0]  }
0x2e: {  	s3 =	simm.s32 @!p0 $0x1082;
	s9 =	sld [smem:$0x3FB1]  }
0x2f: {  	lr =	sadd.s32 s0, s3;
	s0 =	sld [smem:$0x3FA8]  }
0x30: {  	s3 =	sld [smem:$0x3FAB]  }
0x31: {  	[smem:$0x3FB4] =	sst s10  }
0x32: {  	s10 =	sld [smem:$0x3FB2];
	_ =	sdelay $0x3  }
0x33: {  	p0 =	seq.s32 s10, $0x1;
	s10 =	sld [smem:$0x3FB4];
	_ =	sdelay $0x3  }
0x34: {  	[smem:$0x3FB4] =	sst s10  }
0x35: {  	s10 =	sld [smem:$0x3FB3];
	_ =	sdelay $0x3  }
0x36: {  	p1 =	seq.s32 s10, $0x1;
	s10 =	sld [smem:$0x3FB4];
	_ =	sdelay $0x3  }
0x37: {  	[smem:$0x3FB4] =	sst s10  }
0x38: {  	s10 =	sld [smem:$0x3FB5]  }
0x39: {  	_ = 	snop;
	(pc) =	sbr.ind lr, $3  }
0x3a: {  	_ = 	snop  }
0x3b: {  	_ = 	snop  }
0x3c: {  	p2 =	seq.s32 s10, $0x1;
	s10 =	sld [smem:$0x3FB4]  }
0x3d: {  	_ =	shalt  }
0x3e: {  	_ =	shalt  }
0x3f: {  	_ =	shalt  }
0x40: {  	_ =	shalt  }
0x41: {  	_ =	shalt  }
0x42: {  	_ =	shalt  }
0x43: {  	_ =	shalt  }
0x44: {  	_ =	shalt  }
0x45: {  	_ =	shalt  }
0x46: {  	_ =	shalt  }
0x47: {  	_ =	shalt  }
0x48: {  	_ =	shalt  }
0x49: {  	_ =	shalt  }
0x4a: {  	_ =	shalt  }
0x4b: {  	_ =	shalt  }
0x4c: {  	_ =	shalt  }
0x4d: {  	_ =	shalt  }
0x4e: {  	_ =	shalt  }
0x4f: {  	_ =	shalt  }
0x50: {  	_ =	shalt  }
0x51: {  	_ =	shalt  }
0x52: {  	_ =	shalt  }
0x53: {  	_ =	shalt  }
0x54: {  	_ =	shalt  }
0x55: {  	_ =	shalt  }
0x56: {  	_ =	shalt  }
0x57: {  	_ =	shalt  }
0x58: {  	_ =	shalt  }
0x59: {  	_ =	shalt  }
0x5a: {  	_ =	shalt  }
0x5b: {  	_ =	shalt  }
0x5c: {  	_ =	shalt  }
0x5d: {  	_ =	shalt  }
0x5e: {  	_ =	shalt  }
0x5f: {  	_ =	shalt  }
0x60: {  	_ =	shalt  }
0x61: {  	_ =	shalt  }
0x62: {  	_ =	shalt  }
0x63: {  	_ =	shalt  }
0x64: {  	_ =	shalt  }
0x65: {  	_ =	shalt  }
0x66: {  	_ =	shalt  }
0x67: {  	_ =	shalt  }
0x68: {  	_ =	shalt  }
0x69: {  	_ =	shalt  }
0x6a: {  	_ =	shalt  }
0x6b: {  	_ =	shalt  }
0x6c: {  	_ =	shalt  }
0x6d: {  	_ =	shalt  }
0x6e: {  	_ =	shalt  }
0x6f: {  	_ =	shalt  }
0x70: {  	_ =	shalt  }
0x71: {  	_ =	shalt  }
0x72: {  	_ =	shalt  }
0x73: {  	_ =	shalt  }
0x74: {  	_ =	shalt  }
0x75: {  	_ =	shalt  }
0x76: {  	_ =	shalt  }
0x77: {  	_ =	shalt  }
0x78: {  	_ =	shalt  }
0x79: {  	_ =	shalt  }
0x7a: {  	_ =	shalt  }
0x7b: {  	_ =	shalt  }
0x7c: {  	_ =	shalt  }
0x7d: {  	_ =	shalt  }
0x7e: {  	_ =	shalt  }
0x7f: {  	_ =	shalt  }
0x80: {  	_ =	shalt  }
0x81: {  	_ =	shalt  }
0x82: {  	_ =	shalt  }
0x83: {  	_ =	shalt  }
0x84: {  	_ =	shalt  }
0x85: {  	_ =	shalt  }
0x86: {  	_ =	shalt  }
0x87: {  	_ =	shalt  }
.Lfunc_end0:
.L_simem_size_0:
called_computation_lowered:
.L_overlay_start_0:
0x88: {  	s2 =	sld [smem:$0x3FD9]  }
0x89: {  	s3 =	sld [smem:$0x3FFE];
	_ =	sdelay $0x1  }
0x8a: {  	s1 =	srdreg.scid  }
0x8b: {  	s0 =	sand.u32 $0x1, s1  }
0x8c: {  	s17 =	sshll.u32 s0, $0xA;
	s2 =	sadd.s32 s3, s2  }
0x8d: {  	s2 =	sadd.s32 s2, s17  }
0x8e: {  	[smem:$0x3FC0] =	sst s2  }
0x8f: {  	_ = 	snop  }
0x90: {  	s2 =	sld [smem:$0x3FC8]  }
0x91: {  	s18 =	sld [smem:$0x3FC7]  }
0x92: {  	s4 =	sld [smem:$0x3FC6];
	(tm) =	ssettm $0x1  }
0x93: {  	s5 =	sld [smem:$0x3FFB];
	_ =	sdelay $0x3  }
0x94: {  	_ =	strace s5  }
0x95: {  	s5 =	sld [smem:$0x3FFC];
	_ =	sdelay $0x3  }
0x96: {  	_ =	strace s5  }
0x97: {  	s5 =	sld [smem:$0x3FFD];
	_ =	sdelay $0x3  }
0x98: {  	_ =	strace s5  }
0x99: {  	_ =	strace $0x8FFFFFFF  }
0x9a: {  	s19 =	sld [smem:$0x3FDB];
	_ =	sdelay $0x1  }
0x9b: {  	s6 =	simm.s32 $_scs_section_size  }
0x9c: {  	s7 =	simm.s32 $_size__tile_overlayer_lowered;
	s8 =	simm.s32 $_tile_overlayer_lowered  }
0x9d: {  	s22 =	simm.s32 $0x1BFF;
	s21 =	sshll.u32 s8, $0x1;
	s5 =	sadd.s32 s6, s19  }
0x9e: {  	s9 =	simm.s32 $0x0;
	s20 =	sshll.u32 s7, $0x1;
	s7 =	sadd.s32 s21, s5  }
0x9f: {  	[timem:s9], [sflag:s22] =	dma.local [hbm:s7], s20  }
0xa0: {  	_ =	swait.ge [sflag:s22], s20  }
0xa1: {  	s6 =	ssub.s32 $0x0, s20;
	[sflag:s22] =	ssyncset.done $0x0  }
0xa2: {  	[sflag:s22] =	ssyncadd.s32 s6;
	_ =	sdelay $0x1  }
0xa3: {  	s23 =	simm.s32 $0x1B8B  }
0xa4: {  	_ =	swait.ge [sflag:s23], $0x1  }
0xa5: {  	[sflag:s23] =	ssyncset.done $0x0  }
0xa6: {  	s25 =	simm.s32 $0x1B8E;
	s24 =	sld [smem:$0x3FFE];
	[sflag:s23] =	ssyncadd.s32 $0xFFFFFFFF  }
0xa7: {  	s26 =	simm.s32 $execute0_lowered;
	[smem:$0x3FD2] =	sst s25  }
0xa8: {  	s7 =	sshll.u32 s26, $0x1;
	_ =	strace $0x80000046;
	[dreg:$0x1] =	wrdreg $0xFFFFFFFF  }
0xa9: {  	s28 =	simm.s32 $_size_execute0_lowered;
	s5 =	sadd.s32 s5, s7;
	[dreg:$0x0] =	wrdreg $0x0  }
0xaa: {  	s7 =	sshll.u32 s28, $0x1;
	[dreg:$0x2] =	wrdreg s5  }
0xab: {  	[dreg:$0x3] =	wrdreg s7  }
0xac: {  	[dreg:$0x4] =	wrdreg $0xC0  }
0xad: {  	_ =	task [dreg:s9], $0x5FFFF  }
0xae: {  	[dreg:$0x1] =	wrdreg $0xFFFFFFFF  }
0xaf: {  	[dreg:$0x0] =	wrdreg $0x60  }
0xb0: {  	[dreg:$0x2] =	wrdreg s2  }
0xb1: {  	[dreg:$0x3] =	wrdreg s18  }
0xb2: {  	[dreg:$0x4] =	wrdreg s4  }
0xb3: {  	[dreg:$0x5] =	wrdreg s24  }
0xb4: {  	[dreg:$0x6] =	wrdreg $0x9  }
0xb5: {  	_ =	task.clear_ibuf [dreg:s9], $0x7FFFF;
	_ =	strace $0x90000046  }
0xb6: {  	s29 =	simm.s32 $0x9;
	_ =	strace $0x80000048  }
0xb7: {  	_ =	swait.ge [sflag:s29], $0x1  }
0xb8: {  	[sflag:s29] =	ssyncadd.s32 $0xFFFFFFFF  }
0xb9: {  	_ =	strace $0x90000048  }
0xba: {  	_ =	sfence  }
0xbb: {  	s30 =	sld [smem:$0x0];
	_ =	sdelay $0x2  }
0xbc: {  	s31 =	sshll.u32 s1, $0xD;
	s1 =	sshrl.u32 s1, $0x2  }
0xbd: {  	s3 =	sand.u32 $0x4000, s31;
	s1 =	sadd.s32 s1, s30  }
0xbe: {  	s0 =	sor.u32 s3, s0;
	s1 =	sshll.u32 s1, $0x11  }
0xbf: {  	s0 =	sor.u32 s1, s0  }
0xc0: {  	s0 =	sadd.s32 $0x8F2B, s0  }
0xc1: {  	[sflag:s0] =	ssyncadd.remote.s32 $0x1  }
0xc2: {  	_ =	sfence.sel $0xFFFF  }
0xc3: {  	[dreg:$0x0] =	wrdreg $0xFFFFFFFF;
	(pc) =	sbr.abs _section_cstart, $3  }
0xc4: {  	[dreg:$0x1] =	wrdreg $0xFFFFFFFF  }
0xc5: {  	_ =	task.clear_ibuf [dreg:s9], $0x2FFFF;
	_ =	strace $0x9FFFFFFF  }
0xc6: {  	(tm) =	ssettm $0x7FFFFFFF  }
0xc7: {  	_ =	shalt  }
tec
execute0_lowered:
.L_overlay_start_1:
0x0: {  	(tag) =	ssettag $0x1  }
0x1: {  	s1 =	rddreg [dreg:$0x0]  }
0x2: {  	s4 =	rddreg [dreg:$0x1]  }
0x3: {  	s5 =	rddreg [dreg:$0x2]  }
0x4: {  	s6 =	rddreg [dreg:$0x3];
	s3 =	srdreg.scid  }
0x5: {  	s0 =	rddreg [dreg:$0x4];
	s2 =	stileid.u32  }
0x6: {  	s10 =	simm.s32 $0x180;
	s11 =	simm.s32 $0x980;
	s12 =	simm.s32 $0x1180  }
0x7: {  	s13 =	simm.s32 $0x1980;
	s14 =	simm.s32 $0x2180;
	s15 =	simm.s32 $0x2980  }
0x8: {  	s16 =	simm.s32 $0x3180;
	s17 =	simm.s32 $0x3980;
	s18 =	simm.s32 $0x4180  }
0x9: {  	s19 =	simm.s32 $0x4980;
	s20 =	simm.s32 $0x5180;
	s21 =	simm.s32 $0x5980  }
0xa: {  	s22 =	simm.s32 $0x6180;
	s23 =	simm.s32 $0x6980;
	s24 =	simm.s32 $0x7180  }
0xb: {  	s25 =	simm.s32 $0x7980;
	s26 =	simm.s32 $0x1;
	s7 =	sand.u32 $0x1, s3  }
0xc: {  	s3 =	simm.s32 $0x0;
	s8 =	sshll.u32 s2, $0x8;
	s9 =	sshll.u32 s7, $0x7  }
0xd: {  	[smem:$0x7FF] =	sst s3;
	s7 =	ssub.s32 $0x2, s7;
	s8 =	sor.u32 s9, s8  }
0xe: {  	_ =	strace $0x80000047;
	s31 =	sshrl.u32 s7, $0x1;
	s9 =	sshll.u32 s8, $0x5  }
0xf: {  	v2 =	vlaneseq.u32;
	s8 =	sshrl.u32 s8, $0x3;
	s7 =	ssub.s32 s7, s31;
	s6 =	sadd.s32 s9, s6  }
0x10: {  	vm0 =	vmmov $0xffff;
	v1 =	vshrl.u32 v2, $0x3;
	s4 =	sadd.s32 s4, s8;
	s5 =	sadd.s32 s5, s8;
	s7 =	smax.u32 s7, $0x1  }
0x11: {  	v0 =	vand.u32 $0x7, v2;
	v2 =	vor.u32 $0x8, v2;
	v1 =	vmul.u32 $0x8, v1;
	s8 =	simm.s32 $0x2;
	s9 =	simm.s32 $0x80;
	s6 =	sadd.s32 $0x1000, s6  }
.LBB2_1:
0x12: {  	[tilespmem:s3], [sflag:$0x2] =	stream.linear.gather [hbm4b:s4+s3], $0x80, $0x38;
	[tilespmem:$0x8180] =	vst v63  }
0x13: {  	_ =	swait.ge [sflag:s8], $0x80  }
0x14: {  	[sflag:s8] =	ssyncset.done $0x0  }
0x15: {  	[sflag:s8] =	ssyncadd.s32 $0xFFFFFF80  }
0x16: {  	[tilespmem:s9], [sflag:$0x2] =	stream.linear.gather [hbm4b:s5+s3], $0x80, $0x38;
	[tilespmem:$0x8180] =	vst v63  }
0x17: {  	_ =	swait.ge [sflag:s8], $0x80  }
0x18: {  	[sflag:s8] =	ssyncset.done $0x0  }
0x19: {  	[sflag:s8] =	ssyncadd.s32 $0xFFFFFF80  }
0x1a: {  	v3 =	vld [tilespmem:$0x80]  }
0x1b: {  	v4 =	vld [tilespmem:$0x0]  }
0x1c: {  	v5 =	vld [tilespmem:$0x90]  }
0x1d: {  	v6 =	vld [tilespmem:$0x10]  }
0x1e: {  	v7 =	vld [tilespmem:$0xA0]  }
0x1f: {  	v8 =	vld [tilespmem:$0x20]  }
0x20: {  	v9 =	vld [tilespmem:$0xB0]  }
0x21: {  	v10 =	vld [tilespmem:$0x30]  }
0x22: {  	v11 =	vld [tilespmem:$0xC0]  }
0x23: {  	v12 =	vld [tilespmem:$0x40]  }
0x24: {  	v13 =	vld [tilespmem:$0xD0];
	v3 =	vshll.u32 v3, $0xC  }
0x25: {  	v14 =	vld [tilespmem:$0x50];
	v3 =	vadd.s32 v4, v3  }
0x26: {  	v15 =	vld [tilespmem:$0xE0];
	v5 =	vshll.u32 v5, $0xC;
	v16 =	vshll.u32 v3, $0x1  }
0x27: {  	v17 =	vld [tilespmem:$0x60];
	v7 =	vshll.u32 v7, $0xC;
	v4 =	vand.u32 $0x7, v4;
	v16 =	vand.u32 $0xFFFFFFF0, v16  }
0x28: {  	v49 =	vld [tilespmem:$0xF0];
	v50 =	vshll.u32 v11, $0xC;
	[tilespmem:$0x100] =	vst v3;
	v3 =	vadd.s32 v6, v5;
	v4 =	vor.u32 v4, v16  }
0x29: {  	v51 =	vld [tilespmem:$0x70];
	v48 =	vadd.s32 v8, v7;
	[tilespmem:$0x110] =	vst v3;
	v3 =	vshll.u32 v9, $0xC;
	v52 =	vperm.xlane v4, v0  }
0x2a: {  	v53 =	vadd.s32 v12, v50;
	[tilespmem:$0x120] =	vst v48;
	v3 =	vadd.s32 v10, v3  }
0x2b: {  	[tilespmem:$0x130] =	vst v3;
	v3 =	vshll.u32 v13, $0xC;
	v4 =	vperm.xlane v4, v2;
	v54 =	vadd.s32 v1, v52  }
0x2c: {  	v55 =	vshll.u32 v15, $0xC;
	[tilespmem:$0x140] =	vst v53;
	v3 =	vadd.s32 v14, v3  }
0x2d: {  	v56 =	vshll.u32 v49, $0xC;
	[tilespmem:$0x150] =	vst v3;
	v3 =	vadd.s32 v17, v55;
	v4 =	vadd.s32 v1, v4  }
0x2e: {  	[tilespmem:$0x160] =	vst v3;
	v3 =	vadd.s32 v51, v56  }
0x2f: {  	[tilespmem:$0x170] =	vst v3  }
0x30: {  	[tilespmem:s10], [sflag:$0x1] =	stream.indirect_vreg.gather [hbm4b:s1+s3], $0x80, v54, vm0, $0xb8;
	[tilespmem:$0x8180] =	vst v63  }
0x31: {  	_ = 	snop  }
0x32: {  	[tilespmem:s11], [sflag:$0x1] =	stream.indirect_vreg.gather [hbm4b:s1+s3], $0x80, v4, vm0, $0xb8;
	[tilespmem:$0x8180] =	vst v63  }
0x33: {  	v3 =	vld [tilespmem:$0x110];
	_ =	sdelay $0x4  }
0x34: {  	v57 =	vshll.u32 v3, $0x1  }
0x35: {  	v3 =	vand.u32 $0x7, v3;
	v4 =	vand.u32 $0xFFFFFFF0, v57  }
0x36: {  	v3 =	vor.u32 v3, v4  }
0x37: {  	v4 =	vperm.xlane v3, v0;
	_ =	sdelay $0x1  }
0x38: {  	v3 =	vperm.xlane v3, v2;
	v4 =	vadd.s32 v1, v4;
	_ =	sdelay $0x1  }
0x39: {  	v3 =	vadd.s32 v1, v3;
	_ =	sdelay $0x2  }
0x3a: {  	[tilespmem:s12], [sflag:$0x1] =	stream.indirect_vreg.gather [hbm4b:s1+s3], $0x80, v4, vm0, $0xb8;
	[tilespmem:$0x8180] =	vst v63  }
0x3b: {  	_ = 	snop  }
0x3c: {  	[tilespmem:s13], [sflag:$0x1] =	stream.indirect_vreg.gather [hbm4b:s1+s3], $0x80, v3, vm0, $0xb8;
	[tilespmem:$0x8180] =	vst v63  }
0x3d: {  	v3 =	vld [tilespmem:$0x120];
	_ =	sdelay $0x4  }
0x3e: {  	v58 =	vshll.u32 v3, $0x1  }
0x3f: {  	v3 =	vand.u32 $0x7, v3;
	v4 =	vand.u32 $0xFFFFFFF0, v58  }
0x40: {  	v3 =	vor.u32 v3, v4  }
0x41: {  	v4 =	vperm.xlane v3, v0;
	_ =	sdelay $0x1  }
0x42: {  	v3 =	vperm.xlane v3, v2;
	v4 =	vadd.s32 v1, v4;
	_ =	sdelay $0x1  }
0x43: {  	v3 =	vadd.s32 v1, v3;
	_ =	sdelay $0x2  }
0x44: {  	[tilespmem:s14], [sflag:$0x1] =	stream.indirect_vreg.gather [hbm4b:s1+s3], $0x80, v4, vm0, $0xb8;
	[tilespmem:$0x8180] =	vst v63  }
0x45: {  	_ = 	snop  }
0x46: {  	[tilespmem:s15], [sflag:$0x1] =	stream.indirect_vreg.gather [hbm4b:s1+s3], $0x80, v3, vm0, $0xb8;
	[tilespmem:$0x8180] =	vst v63  }
0x47: {  	v3 =	vld [tilespmem:$0x130];
	_ =	sdelay $0x4  }
0x48: {  	v59 =	vshll.u32 v3, $0x1  }
0x49: {  	v3 =	vand.u32 $0x7, v3;
	v4 =	vand.u32 $0xFFFFFFF0, v59  }
0x4a: {  	v3 =	vor.u32 v3, v4  }
0x4b: {  	v4 =	vperm.xlane v3, v0;
	_ =	sdelay $0x1  }
0x4c: {  	v3 =	vperm.xlane v3, v2;
	v4 =	vadd.s32 v1, v4;
	_ =	sdelay $0x1  }
0x4d: {  	v3 =	vadd.s32 v1, v3;
	_ =	sdelay $0x2  }
0x4e: {  	[tilespmem:s16], [sflag:$0x1] =	stream.indirect_vreg.gather [hbm4b:s1+s3], $0x80, v4, vm0, $0xb8;
	[tilespmem:$0x8180] =	vst v63  }
0x4f: {  	_ = 	snop  }
0x50: {  	[tilespmem:s17], [sflag:$0x1] =	stream.indirect_vreg.gather [hbm4b:s1+s3], $0x80, v3, vm0, $0xb8;
	[tilespmem:$0x8180] =	vst v63  }
0x51: {  	v3 =	vld [tilespmem:$0x140];
	_ =	sdelay $0x4  }
0x52: {  	v60 =	vshll.u32 v3, $0x1  }
0x53: {  	v3 =	vand.u32 $0x7, v3;
	v4 =	vand.u32 $0xFFFFFFF0, v60  }
0x54: {  	v3 =	vor.u32 v3, v4  }
0x55: {  	v4 =	vperm.xlane v3, v0;
	_ =	sdelay $0x1  }
0x56: {  	v3 =	vperm.xlane v3, v2;
	v4 =	vadd.s32 v1, v4;
	_ =	sdelay $0x1  }
0x57: {  	v3 =	vadd.s32 v1, v3;
	_ =	sdelay $0x2  }
0x58: {  	[tilespmem:s18], [sflag:$0x1] =	stream.indirect_vreg.gather [hbm4b:s1+s3], $0x80, v4, vm0, $0xb8;
	[tilespmem:$0x8180] =	vst v63  }
0x59: {  	_ = 	snop  }
0x5a: {  	[tilespmem:s19], [sflag:$0x1] =	stream.indirect_vreg.gather [hbm4b:s1+s3], $0x80, v3, vm0, $0xb8;
	[tilespmem:$0x8180] =	vst v63  }
0x5b: {  	v3 =	vld [tilespmem:$0x150];
	_ =	sdelay $0x4  }
0x5c: {  	v61 =	vshll.u32 v3, $0x1  }
0x5d: {  	v3 =	vand.u32 $0x7, v3;
	v4 =	vand.u32 $0xFFFFFFF0, v61  }
0x5e: {  	v3 =	vor.u32 v3, v4  }
0x5f: {  	v4 =	vperm.xlane v3, v0;
	_ =	sdelay $0x1  }
0x60: {  	v3 =	vperm.xlane v3, v2;
	v4 =	vadd.s32 v1, v4;
	_ =	sdelay $0x1  }
0x61: {  	v3 =	vadd.s32 v1, v3;
	_ =	sdelay $0x2  }
0x62: {  	[tilespmem:s20], [sflag:$0x1] =	stream.indirect_vreg.gather [hbm4b:s1+s3], $0x80, v4, vm0, $0xb8;
	[tilespmem:$0x8180] =	vst v63  }
0x63: {  	_ = 	snop  }
0x64: {  	[tilespmem:s21], [sflag:$0x1] =	stream.indirect_vreg.gather [hbm4b:s1+s3], $0x80, v3, vm0, $0xb8;
	[tilespmem:$0x8180] =	vst v63  }
0x65: {  	v3 =	vld [tilespmem:$0x160];
	_ =	sdelay $0x4  }
0x66: {  	v62 =	vshll.u32 v3, $0x1  }
0x67: {  	v3 =	vand.u32 $0x7, v3;
	v4 =	vand.u32 $0xFFFFFFF0, v62  }
0x68: {  	v3 =	vor.u32 v3, v4  }
0x69: {  	v4 =	vperm.xlane v3, v0;
	_ =	sdelay $0x1  }
0x6a: {  	v3 =	vperm.xlane v3, v2;
	v4 =	vadd.s32 v1, v4;
	_ =	sdelay $0x1  }
0x6b: {  	v3 =	vadd.s32 v1, v3;
	_ =	sdelay $0x2  }
0x6c: {  	[tilespmem:s22], [sflag:$0x1] =	stream.indirect_vreg.gather [hbm4b:s1+s3], $0x80, v4, vm0, $0xb8;
	[tilespmem:$0x8180] =	vst v63  }
0x6d: {  	_ = 	snop  }
0x6e: {  	[tilespmem:s23], [sflag:$0x1] =	stream.indirect_vreg.gather [hbm4b:s1+s3], $0x80, v3, vm0, $0xb8;
	[tilespmem:$0x8180] =	vst v63  }
0x6f: {  	v3 =	vld [tilespmem:$0x170];
	_ =	sdelay $0x4  }
0x70: {  	v63 =	vshll.u32 v3, $0x1  }
0x71: {  	v3 =	vand.u32 $0x7, v3;
	v4 =	vand.u32 $0xFFFFFFF0, v63  }
0x72: {  	v3 =	vor.u32 v3, v4  }
0x73: {  	v4 =	vperm.xlane v3, v0;
	_ =	sdelay $0x1  }
0x74: {  	v3 =	vperm.xlane v3, v2;
	v4 =	vadd.s32 v1, v4;
	_ =	sdelay $0x1  }
0x75: {  	v3 =	vadd.s32 v1, v3;
	_ =	sdelay $0x2  }
0x76: {  	[tilespmem:s24], [sflag:$0x1] =	stream.indirect_vreg.gather [hbm4b:s1+s3], $0x80, v4, vm0, $0xb8;
	[tilespmem:$0x8180] =	vst v63  }
0x77: {  	_ = 	snop  }
0x78: {  	[tilespmem:s25], [sflag:$0x1] =	stream.indirect_vreg.gather [hbm4b:s1+s3], $0x80, v3, vm0, $0xb8;
	[tilespmem:$0x8180] =	vst v63  }
0x79: {  	_ =	swait.ge [sflag:s26], $0x8000  }
0x7a: {  	p0 =	sne.s32 s7, $0x1;
	[sflag:s26] =	ssyncset.done $0x0  }
.Ltmp0:
0x7b: {  	[sflag:s26] =	ssyncadd.s32 $0xFFFF8000;
	(pc) =	sbr.rel @p0 .LBB2_1-.Ltmp0, $4  }
0x7c: {  	[hbm4b:s6+s3] =	stream.linear.scatter [tilespmem:s10], [sflag:$0x2], $0x8000, $0x38;
	[tilespmem:$0x8180] =	vst v63  }
0x7d: {  	_ =	swait.ge [sflag:s8], $0x8000  }
0x7e: {  	[sflag:s8] =	ssyncset.done $0x0  }
0x7f: {  	s7 =	sadd.s32 $0xFFFFFFFF, s7;
	[sflag:s8] =	ssyncadd.s32 $0xFFFF8000  }
0x80: {  	_ =	sfence.sel $0x180000  }
0x81: {  	[bflag:$0x0] =	sbarrier.arrive $0xFFFF  }
0x82: {  	p0 =	sne.s32 s2, $0x0;
	_ =	strace $0x90000047  }
0x83: {  	s0 =	sadd.s32 @!p0 $0x100000, s0;
	[bflag:$0x2] =	sbarrier.arrive $0xFFFF  }
0x84: {  	[sflag:s0] =	ssyncadd.tile.s32 @!p0 $0x1;
	_ =	shalt  }
.Lfunc_end2:
_tile_overlayer_lowered:
.L_overlay_start_2:
0x85: {  	(tag) =	ssettag $0x2  }
0x86: {  	s0 =	rddreg [dreg:$0x0];
	s2 =	stileid.u32  }
0x87: {  	s1 =	rddreg [dreg:$0x1];
	p0 =	sne.s32 s2, $0x0  }
0x88: {  	s3 =	rddreg [dreg:$0x2];
	[bflag:$0x3] =	sbarrier.arrive $0xFFFF;
	s2 =	simm.s32 @!p0 $0x1C02  }
0x89: {  	[timem:s3], [sflag:s2] =	dma.local @!p0 [hbm:s0], s1  }
0x8a: {  	s0 =	simm.s32 @!p0 $0x2  }
0x8b: {  	_ =	swait.ge @!p0 [sflag:s0], s1  }
0x8c: {  	s1 =	ssub.s32 @!p0 $0x0, s1;
	[sflag:s0] =	ssyncset.done @!p0 $0x0  }
0x8d: {  	[sflag:s0] =	ssyncadd.s32 @!p0 s1  }
0x8e: {  	[bflag:$0x3] =	sbarrier.arrive $0xFFFF  }
0x8f: {  	_ =	shalt  }

</sc_bundles>
